<compile_context>
chip_gen: v7x
topology: tpu7x:2x2x1
jax: 0.10.2.dev20260603
libtpu: 0.0.44.dev20260713+nightly
codegen_flags: <defaults>
</compile_context>

<pallas_src>
import functools
import jax
import jax.numpy as jnp
from jax import lax
from jax.experimental import pallas as pl
from jax.experimental.pallas import tpu as pltpu
from jax.experimental.pallas import tpu_sc as plsc

_C = 1000
_N = 4096
_M = 26
_CCHUNK = 8
_NCHUNK = _C // _CCHUNK
_ITEMS = _M * _NCHUNK


def _sc_one_hot(xt_flat):
    info = plsc.get_sparse_core_info()
    nw = info.num_cores * info.num_subcores
    n_iter = (_ITEMS + nw - 1) // nw
    mesh = plsc.VectorSubcoreMesh(core_axis_name="c", subcore_axis_name="s")

    @functools.partial(
        pl.kernel,
        out_type=jax.ShapeDtypeStruct((_M * _C, _N), jnp.int32),
        mesh=mesh,
        scratch_types=[
            pltpu.VMEM((_N,), jnp.int32),
            pltpu.VMEM((_CCHUNK, _N), jnp.int32),
        ],
    )
    def k(xt_hbm, out_hbm, row_v, buf_v):
        wid = lax.axis_index("s") * info.num_cores + lax.axis_index("c")

        def item_body(t, _):
            item = wid + t * nw

            @pl.when(item < _ITEMS)
            def _():
                j = item // _NCHUNK
                c0 = (item % _NCHUNK) * _CCHUNK
                pltpu.sync_copy(xt_hbm.at[pl.ds(j * _N, _N)], row_v)

                def seg(s, _):
                    v = row_v[pl.ds(s * 16, 16)]
                    for cc in range(_CCHUNK):
                        buf_v[cc, pl.ds(s * 16, 16)] = jnp.where(
                            v == c0 + cc, 1, 0).astype(jnp.int32)
                    return 0
                lax.fori_loop(0, _N // 16, seg, 0)
                pltpu.sync_copy(buf_v,
                                out_hbm.at[pl.ds(item * _CCHUNK, _CCHUNK)])
            return 0
        lax.fori_loop(0, n_iter, item_body, 0)

    return k(xt_flat)


def kernel(x):
    n, m = x.shape
    xt_flat = x.T.reshape(m * n)
    t2 = _sc_one_hot(xt_flat)
    out_dtype = jnp.zeros((), jnp.int64).dtype
    return jnp.transpose(t2.reshape(m, _C, n), (2, 0, 1)).astype(out_dtype)

# --- scband reference (transcript-rebuilt; emitter-appended) ---
"""Pipeline reference for scband-one-hot-66443144069191 (READ-ONLY COPY).

The authoritative reference and input builder live on the scoring server;
editing this copy changes nothing except your own understanding.
"""

import jax, jax.numpy as jnp
import numpy as np

NUM_CLASSES = 1000

def setup_inputs(seed: int = 0) -> dict:
    key = jax.random.key(seed)
    x = jax.random.randint(key, (4096, 26), 0, NUM_CLASSES, dtype=jnp.int64)
    return {"x": x}

def reference(x) -> jnp.ndarray:
    # Faithful translation of torch.nn.functional.one_hot: output dtype int64,
    # one-hot expansion appended as a trailing dimension of size num_classes.
    return jax.nn.one_hot(x, NUM_CLASSES, dtype=jnp.int64)

if __name__ == "__main__":
    import jax
    _d = setup_inputs()
    print(jax.jit(kernel)(*tuple(_d.values())))

</pallas_src>

<mosaic_0001>
#map = affine_map<(d0, d1) -> (0)>
#map1 = affine_map<(d0, d1) -> (0, 0)>
module attributes {stable_mosaic.version = 14 : i64} {
  func.func @k(%arg0: i32, %arg1: i32, %arg2: memref<106496xi32, #tpu.memory_space<hbm>>, %arg3: memref<26000x4096xi32, #tpu.memory_space<hbm>>, %arg4: memref<4096xi32, #tpu.memory_space<vmem>>, %arg5: memref<8x4096xi32, #tpu.memory_space<vmem>>) attributes {dimension_semantics = [#tpu.dimension_semantics<core_parallel>, #tpu.dimension_semantics<subcore_parallel>], iteration_bounds = array<i64: 2, 16>, scalar_prefetch = 0 : i64, scratch_operands = 2 : i64, tpu.core_type = #tpu.core_type<sc_vector_subcore>, window_params = [{transform_indices = #map}, {transform_indices = #map1}]} {
    %mul3A = arith.constant 2 : i32
    %mul3A_0 = arith.muli %arg1, %mul3A : i32
    %add3A = arith.addi %mul3A_0, %arg0 : i32
    %scan3A = arith.constant 0 : i32
    %scan3A_1 = arith.constant 0 : i32
    %scan3A_2 = arith.constant 102 : i32
    %scan3A_3 = arith.addi %scan3A_1, %scan3A_2 : i32
    %scan3A_4 = arith.constant 1 : i32
    %scan3A_5 = scf.for %scan3A_7 = %scan3A_1 to %scan3A_3 step %scan3A_4 iter_args(%scan3A_8 = %scan3A) -> (i32)  : i32 {
      %mul3A_9 = arith.constant 32 : i32
      %mul3A_10 = arith.muli %scan3A_7, %mul3A_9 : i32
      %add3A_11 = arith.addi %add3A, %mul3A_10 : i32
      %lt3A = arith.constant 3250 : i32
      %lt3A_12 = arith.cmpi slt, %add3A_11, %lt3A : i32
      %convert_element_type3A = arith.extui %lt3A_12 : i1 to i32
      %cond3A = arith.constant 0 : i32
      %cond3A_13 = arith.cmpi ne, %convert_element_type3A, %cond3A : i32
      scf.if %cond3A_13 {
        %jit3A = arith.constant 125 : i32
        %div3A = arith.divsi %add3A_11, %jit3A : i32
        %sign3A = arith.constant 0 : i32
        %sign3A_15 = arith.cmpi sgt, %add3A_11, %sign3A : i32
        %sign3A_16 = arith.extui %sign3A_15 : i1 to i32
        %sign3A_17 = arith.constant 0 : i32
        %sign3A_18 = arith.cmpi slt, %add3A_11, %sign3A_17 : i32
        %sign3A_19 = arith.extui %sign3A_18 : i1 to i32
        %sign3A_20 = arith.subi %sign3A_16, %sign3A_19 : i32
        %sign3A_21 = arith.constant 0 : i32
        %sign3A_22 = arith.cmpi sgt, %jit3A, %sign3A_21 : i32
        %sign3A_23 = arith.extui %sign3A_22 : i1 to i32
        %sign3A_24 = arith.constant 0 : i32
        %sign3A_25 = arith.cmpi slt, %jit3A, %sign3A_24 : i32
        %sign3A_26 = arith.extui %sign3A_25 : i1 to i32
        %sign3A_27 = arith.subi %sign3A_23, %sign3A_26 : i32
        %ne3A = arith.cmpi ne, %sign3A_20, %sign3A_27 : i32
        %rem3A = arith.remsi %add3A_11, %jit3A : i32
        %ne3A_28 = arith.constant 0 : i32
        %ne3A_29 = arith.cmpi ne, %rem3A, %ne3A_28 : i32
        %and3A = arith.andi %ne3A, %ne3A_29 : i1
        %sub3A = arith.constant 1 : i32
        %sub3A_30 = arith.subi %div3A, %sub3A : i32
        %select_n3A = arith.select %and3A, %sub3A_30, %div3A : i32
        %jit3A_31 = arith.constant 125 : i32
        %eq3A = arith.constant 0 : i32
        %eq3A_32 = arith.cmpi eq, %jit3A_31, %eq3A : i32
        %jit3A_33 = arith.constant 1 : i32
        %select_n3A_34 = arith.select %eq3A_32, %jit3A_33, %jit3A_31 : i32
        %rem3A_35 = arith.remsi %add3A_11, %select_n3A_34 : i32
        %ne3A_36 = arith.constant 0 : i32
        %ne3A_37 = arith.cmpi ne, %rem3A_35, %ne3A_36 : i32
        %lt3A_38 = arith.constant 0 : i32
        %lt3A_39 = arith.cmpi slt, %rem3A_35, %lt3A_38 : i32
        %lt3A_40 = arith.constant 0 : i32
        %lt3A_41 = arith.cmpi slt, %select_n3A_34, %lt3A_40 : i32
        %ne3A_42 = arith.xori %lt3A_39, %lt3A_41 : i1
        %and3A_43 = arith.andi %ne3A_42, %ne3A_37 : i1
        %add3A_44 = arith.addi %rem3A_35, %select_n3A_34 : i32
        %select_n3A_45 = arith.select %and3A_43, %add3A_44, %rem3A_35 : i32
        %mul3A_46 = arith.constant 8 : i32
        %mul3A_47 = arith.muli %select_n3A_45, %mul3A_46 : i32
        %mul3A_48 = arith.constant 4096 : i32
        %mul3A_49 = arith.muli %select_n3A, %mul3A_48 : i32
        "tpu.region"() ({
          %run_scoped3A = tpu.sem_alloc : memref<!tpu.dma_semaphore, #tpu.memory_space<semaphore_mem>>
          %dma_start3A = tpu.memref_slice %arg2[%mul3A_49] : memref<106496xi32, #tpu.memory_space<hbm>> -> memref<4096xi32, #tpu.memory_space<hbm>>
          %dma_start3A_59 = tpu.memref_slice %arg2[%mul3A_49] : memref<106496xi32, #tpu.memory_space<hbm>> -> memref<4096xi32, #tpu.memory_space<hbm>>
          tpu.enqueue_dma source(%dma_start3A_59 : memref<4096xi32, #tpu.memory_space<hbm>>) target(%arg4 : memref<4096xi32, #tpu.memory_space<vmem>>) target_semaphore(%run_scoped3A : memref<!tpu.dma_semaphore, #tpu.memory_space<semaphore_mem>>)
          %dma_wait3A = tpu.memref_slice %arg2[%mul3A_49] : memref<106496xi32, #tpu.memory_space<hbm>> -> memref<4096xi32, #tpu.memory_space<hbm>>
          %dma_wait3A_60 = tpu.memref_slice %arg2[%mul3A_49] : memref<106496xi32, #tpu.memory_space<hbm>> -> memref<4096xi32, #tpu.memory_space<hbm>>
          tpu.wait_dma2 semaphore(%run_scoped3A : memref<!tpu.dma_semaphore, #tpu.memory_space<semaphore_mem>>) src(%dma_wait3A_60 : memref<4096xi32, #tpu.memory_space<hbm>>) dst(%arg4 : memref<4096xi32, #tpu.memory_space<vmem>>)
          tpu.yield
        }) : () -> ()
        %scan3A_50 = arith.constant 0 : i32
        %scan3A_51 = arith.constant 0 : i32
        %scan3A_52 = arith.constant 256 : i32
        %scan3A_53 = arith.addi %scan3A_51, %scan3A_52 : i32
        %scan3A_54 = arith.constant 1 : i32
        %scan3A_55 = scf.for %scan3A_59 = %scan3A_51 to %scan3A_53 step %scan3A_54 iter_args(%scan3A_60 = %scan3A_50) -> (i32)  : i32 {
          %mul3A_61 = arith.constant 16 : i32
          %mul3A_62 = arith.muli %scan3A_59, %mul3A_61 : i32
          %get3A = arith.index_cast %mul3A_62 : i32 to index
          %get3A_63 = tpu.vector_load %arg4[%get3A] {strides = array<i32>} : memref<4096xi32, #tpu.memory_space<vmem>>, vector<16xi32>,
          %get3A_64 = vector.shape_cast %get3A_63 : vector<16xi32> to vector<16xi32>
          %add3A_65 = arith.constant 0 : i32
          %add3A_66 = arith.addi %mul3A_47, %add3A_65 : i32
          %eq3A_67 = vector.broadcast %add3A_66 : i32 to vector<16xi32>
          %eq3A_68 = arith.cmpi eq, %get3A_64, %eq3A_67 : vector<16xi32>
          %jit3A_69 = arith.constant 1 : i32
          %jit3A_70 = arith.constant 0 : i32
          %broadcast_in_dim3A = vector.broadcast %jit3A_69 : i32 to vector<16xi32>
          %broadcast_in_dim3A_71 = vector.broadcast %jit3A_70 : i32 to vector<16xi32>
          %select_n3A_72 = arith.select %eq3A_68, %broadcast_in_dim3A, %broadcast_in_dim3A_71 : vector<16xi1>, vector<16xi32>
          %mul3A_73 = arith.constant 16 : i32
          %mul3A_74 = arith.muli %scan3A_59, %mul3A_73 : i32
          %swap3A = arith.constant 0 : i32
          %swap3A_75 = arith.index_cast %swap3A : i32 to index
          %swap3A_76 = arith.index_cast %mul3A_74 : i32 to index
          %swap3A_77 = tpu.vector_load %arg5[%swap3A_75, %swap3A_76] {strides = array<i32>} : memref<8x4096xi32, #tpu.memory_space<vmem>>, vector<1x16xi32>,
          %swap3A_78 = vector.shape_cast %swap3A_77 : vector<1x16xi32> to vector<16xi32>
          %swap3A_79 = vector.shape_cast %select_n3A_72 : vector<16xi32> to vector<1x16xi32>
          tpu.vector_store %arg5[%swap3A_75, %swap3A_76], %swap3A_79 {strides = array<i32>} : memref<8x4096xi32, #tpu.memory_space<vmem>>, vector<1x16xi32>,
          %add3A_80 = arith.constant 1 : i32
          %add3A_81 = arith.addi %mul3A_47, %add3A_80 : i32
          %eq3A_82 = vector.broadcast %add3A_81 : i32 to vector<16xi32>
          %eq3A_83 = arith.cmpi eq, %get3A_64, %eq3A_82 : vector<16xi32>
          %jit3A_84 = arith.constant 1 : i32
          %jit3A_85 = arith.constant 0 : i32
          %broadcast_in_dim3A_86 = vector.broadcast %jit3A_84 : i32 to vector<16xi32>
          %broadcast_in_dim3A_87 = vector.broadcast %jit3A_85 : i32 to vector<16xi32>
          %select_n3A_88 = arith.select %eq3A_83, %broadcast_in_dim3A_86, %broadcast_in_dim3A_87 : vector<16xi1>, vector<16xi32>
          %mul3A_89 = arith.constant 16 : i32
          %mul3A_90 = arith.muli %scan3A_59, %mul3A_89 : i32
          %swap3A_91 = arith.constant 1 : i32
          %swap3A_92 = arith.index_cast %swap3A_91 : i32 to index
          %swap3A_93 = arith.index_cast %mul3A_90 : i32 to index
          %swap3A_94 = tpu.vector_load %arg5[%swap3A_92, %swap3A_93] {strides = array<i32>} : memref<8x4096xi32, #tpu.memory_space<vmem>>, vector<1x16xi32>,
          %swap3A_95 = vector.shape_cast %swap3A_94 : vector<1x16xi32> to vector<16xi32>
          %swap3A_96 = vector.shape_cast %select_n3A_88 : vector<16xi32> to vector<1x16xi32>
          tpu.vector_store %arg5[%swap3A_92, %swap3A_93], %swap3A_96 {strides = array<i32>} : memref<8x4096xi32, #tpu.memory_space<vmem>>, vector<1x16xi32>,
          %add3A_97 = arith.constant 2 : i32
          %add3A_98 = arith.addi %mul3A_47, %add3A_97 : i32
          %eq3A_99 = vector.broadcast %add3A_98 : i32 to vector<16xi32>
          %eq3A_100 = arith.cmpi eq, %get3A_64, %eq3A_99 : vector<16xi32>
          %jit3A_101 = arith.constant 1 : i32
          %jit3A_102 = arith.constant 0 : i32
          %broadcast_in_dim3A_103 = vector.broadcast %jit3A_101 : i32 to vector<16xi32>
          %broadcast_in_dim3A_104 = vector.broadcast %jit3A_102 : i32 to vector<16xi32>
          %select_n3A_105 = arith.select %eq3A_100, %broadcast_in_dim3A_103, %broadcast_in_dim3A_104 : vector<16xi1>, vector<16xi32>
          %mul3A_106 = arith.constant 16 : i32
          %mul3A_107 = arith.muli %scan3A_59, %mul3A_106 : i32
          %swap3A_108 = arith.constant 2 : i32
          %swap3A_109 = arith.index_cast %swap3A_108 : i32 to index
          %swap3A_110 = arith.index_cast %mul3A_107 : i32 to index
          %swap3A_111 = tpu.vector_load %arg5[%swap3A_109, %swap3A_110] {strides = array<i32>} : memref<8x4096xi32, #tpu.memory_space<vmem>>, vector<1x16xi32>,
          %swap3A_112 = vector.shape_cast %swap3A_111 : vector<1x16xi32> to vector<16xi32>
          %swap3A_113 = vector.shape_cast %select_n3A_105 : vector<16xi32> to vector<1x16xi32>
          tpu.vector_store %arg5[%swap3A_109, %swap3A_110], %swap3A_113 {strides = array<i32>} : memref<8x4096xi32, #tpu.memory_space<vmem>>, vector<1x16xi32>,
          %add3A_114 = arith.constant 3 : i32
          %add3A_115 = arith.addi %mul3A_47, %add3A_114 : i32
          %eq3A_116 = vector.broadcast %add3A_115 : i32 to vector<16xi32>
          %eq3A_117 = arith.cmpi eq, %get3A_64, %eq3A_116 : vector<16xi32>
          %jit3A_118 = arith.constant 1 : i32
          %jit3A_119 = arith.constant 0 : i32
          %broadcast_in_dim3A_120 = vector.broadcast %jit3A_118 : i32 to vector<16xi32>
          %broadcast_in_dim3A_121 = vector.broadcast %jit3A_119 : i32 to vector<16xi32>
          %select_n3A_122 = arith.select %eq3A_117, %broadcast_in_dim3A_120, %broadcast_in_dim3A_121 : vector<16xi1>, vector<16xi32>
          %mul3A_123 = arith.constant 16 : i32
          %mul3A_124 = arith.muli %scan3A_59, %mul3A_123 : i32
          %swap3A_125 = arith.constant 3 : i32
          %swap3A_126 = arith.index_cast %swap3A_125 : i32 to index
          %swap3A_127 = arith.index_cast %mul3A_124 : i32 to index
          %swap3A_128 = tpu.vector_load %arg5[%swap3A_126, %swap3A_127] {strides = array<i32>} : memref<8x4096xi32, #tpu.memory_space<vmem>>, vector<1x16xi32>,
          %swap3A_129 = vector.shape_cast %swap3A_128 : vector<1x16xi32> to vector<16xi32>
          %swap3A_130 = vector.shape_cast %select_n3A_122 : vector<16xi32> to vector<1x16xi32>
          tpu.vector_store %arg5[%swap3A_126, %swap3A_127], %swap3A_130 {strides = array<i32>} : memref<8x4096xi32, #tpu.memory_space<vmem>>, vector<1x16xi32>,
          %add3A_131 = arith.constant 4 : i32
          %add3A_132 = arith.addi %mul3A_47, %add3A_131 : i32
          %eq3A_133 = vector.broadcast %add3A_132 : i32 to vector<16xi32>
          %eq3A_134 = arith.cmpi eq, %get3A_64, %eq3A_133 : vector<16xi32>
          %jit3A_135 = arith.constant 1 : i32
          %jit3A_136 = arith.constant 0 : i32
          %broadcast_in_dim3A_137 = vector.broadcast %jit3A_135 : i32 to vector<16xi32>
          %broadcast_in_dim3A_138 = vector.broadcast %jit3A_136 : i32 to vector<16xi32>
          %select_n3A_139 = arith.select %eq3A_134, %broadcast_in_dim3A_137, %broadcast_in_dim3A_138 : vector<16xi1>, vector<16xi32>
          %mul3A_140 = arith.constant 16 : i32
          %mul3A_141 = arith.muli %scan3A_59, %mul3A_140 : i32
          %swap3A_142 = arith.constant 4 : i32
          %swap3A_143 = arith.index_cast %swap3A_142 : i32 to index
          %swap3A_144 = arith.index_cast %mul3A_141 : i32 to index
          %swap3A_145 = tpu.vector_load %arg5[%swap3A_143, %swap3A_144] {strides = array<i32>} : memref<8x4096xi32, #tpu.memory_space<vmem>>, vector<1x16xi32>,
          %swap3A_146 = vector.shape_cast %swap3A_145 : vector<1x16xi32> to vector<16xi32>
          %swap3A_147 = vector.shape_cast %select_n3A_139 : vector<16xi32> to vector<1x16xi32>
          tpu.vector_store %arg5[%swap3A_143, %swap3A_144], %swap3A_147 {strides = array<i32>} : memref<8x4096xi32, #tpu.memory_space<vmem>>, vector<1x16xi32>,
          %add3A_148 = arith.constant 5 : i32
          %add3A_149 = arith.addi %mul3A_47, %add3A_148 : i32
          %eq3A_150 = vector.broadcast %add3A_149 : i32 to vector<16xi32>
          %eq3A_151 = arith.cmpi eq, %get3A_64, %eq3A_150 : vector<16xi32>
          %jit3A_152 = arith.constant 1 : i32
          %jit3A_153 = arith.constant 0 : i32
          %broadcast_in_dim3A_154 = vector.broadcast %jit3A_152 : i32 to vector<16xi32>
          %broadcast_in_dim3A_155 = vector.broadcast %jit3A_153 : i32 to vector<16xi32>
          %select_n3A_156 = arith.select %eq3A_151, %broadcast_in_dim3A_154, %broadcast_in_dim3A_155 : vector<16xi1>, vector<16xi32>
          %mul3A_157 = arith.constant 16 : i32
          %mul3A_158 = arith.muli %scan3A_59, %mul3A_157 : i32
          %swap3A_159 = arith.constant 5 : i32
          %swap3A_160 = arith.index_cast %swap3A_159 : i32 to index
          %swap3A_161 = arith.index_cast %mul3A_158 : i32 to index
          %swap3A_162 = tpu.vector_load %arg5[%swap3A_160, %swap3A_161] {strides = array<i32>} : memref<8x4096xi32, #tpu.memory_space<vmem>>, vector<1x16xi32>,
          %swap3A_163 = vector.shape_cast %swap3A_162 : vector<1x16xi32> to vector<16xi32>
          %swap3A_164 = vector.shape_cast %select_n3A_156 : vector<16xi32> to vector<1x16xi32>
          tpu.vector_store %arg5[%swap3A_160, %swap3A_161], %swap3A_164 {strides = array<i32>} : memref<8x4096xi32, #tpu.memory_space<vmem>>, vector<1x16xi32>,
          %add3A_165 = arith.constant 6 : i32
          %add3A_166 = arith.addi %mul3A_47, %add3A_165 : i32
          %eq3A_167 = vector.broadcast %add3A_166 : i32 to vector<16xi32>
          %eq3A_168 = arith.cmpi eq, %get3A_64, %eq3A_167 : vector<16xi32>
          %jit3A_169 = arith.constant 1 : i32
          %jit3A_170 = arith.constant 0 : i32
          %broadcast_in_dim3A_171 = vector.broadcast %jit3A_169 : i32 to vector<16xi32>
          %broadcast_in_dim3A_172 = vector.broadcast %jit3A_170 : i32 to vector<16xi32>
          %select_n3A_173 = arith.select %eq3A_168, %broadcast_in_dim3A_171, %broadcast_in_dim3A_172 : vector<16xi1>, vector<16xi32>
          %mul3A_174 = arith.constant 16 : i32
          %mul3A_175 = arith.muli %scan3A_59, %mul3A_174 : i32
          %swap3A_176 = arith.constant 6 : i32
          %swap3A_177 = arith.index_cast %swap3A_176 : i32 to index
          %swap3A_178 = arith.index_cast %mul3A_175 : i32 to index
          %swap3A_179 = tpu.vector_load %arg5[%swap3A_177, %swap3A_178] {strides = array<i32>} : memref<8x4096xi32, #tpu.memory_space<vmem>>, vector<1x16xi32>,
          %swap3A_180 = vector.shape_cast %swap3A_179 : vector<1x16xi32> to vector<16xi32>
          %swap3A_181 = vector.shape_cast %select_n3A_173 : vector<16xi32> to vector<1x16xi32>
          tpu.vector_store %arg5[%swap3A_177, %swap3A_178], %swap3A_181 {strides = array<i32>} : memref<8x4096xi32, #tpu.memory_space<vmem>>, vector<1x16xi32>,
          %add3A_182 = arith.constant 7 : i32
          %add3A_183 = arith.addi %mul3A_47, %add3A_182 : i32
          %eq3A_184 = vector.broadcast %add3A_183 : i32 to vector<16xi32>
          %eq3A_185 = arith.cmpi eq, %get3A_64, %eq3A_184 : vector<16xi32>
          %jit3A_186 = arith.constant 1 : i32
          %jit3A_187 = arith.constant 0 : i32
          %broadcast_in_dim3A_188 = vector.broadcast %jit3A_186 : i32 to vector<16xi32>
          %broadcast_in_dim3A_189 = vector.broadcast %jit3A_187 : i32 to vector<16xi32>
          %select_n3A_190 = arith.select %eq3A_185, %broadcast_in_dim3A_188, %broadcast_in_dim3A_189 : vector<16xi1>, vector<16xi32>
          %mul3A_191 = arith.constant 16 : i32
          %mul3A_192 = arith.muli %scan3A_59, %mul3A_191 : i32
          %swap3A_193 = arith.constant 7 : i32
          %swap3A_194 = arith.index_cast %swap3A_193 : i32 to index
          %swap3A_195 = arith.index_cast %mul3A_192 : i32 to index
          %swap3A_196 = tpu.vector_load %arg5[%swap3A_194, %swap3A_195] {strides = array<i32>} : memref<8x4096xi32, #tpu.memory_space<vmem>>, vector<1x16xi32>,
          %swap3A_197 = vector.shape_cast %swap3A_196 : vector<1x16xi32> to vector<16xi32>
          %swap3A_198 = vector.shape_cast %select_n3A_190 : vector<16xi32> to vector<1x16xi32>
          tpu.vector_store %arg5[%swap3A_194, %swap3A_195], %swap3A_198 {strides = array<i32>} : memref<8x4096xi32, #tpu.memory_space<vmem>>, vector<1x16xi32>,
          %scan3A_199 = arith.constant 0 : i32
          scf.yield %scan3A_199 : i32
        }
        %scan3A_56 = arith.constant 256 : i32
        %mul3A_57 = arith.constant 8 : i32
        %mul3A_58 = arith.muli %add3A_11, %mul3A_57 : i32
        "tpu.region"() ({
          %run_scoped3A = tpu.sem_alloc : memref<!tpu.dma_semaphore, #tpu.memory_space<semaphore_mem>>
          %dma_start3A = arith.constant 0 : i32
          %dma_start3A_59 = tpu.memref_slice %arg3[%mul3A_58, %dma_start3A] : memref<26000x4096xi32, #tpu.memory_space<hbm>> -> memref<8x4096xi32, #tpu.memory_space<hbm>>
          %dma_start3A_60 = arith.constant 0 : i32
          %dma_start3A_61 = tpu.memref_slice %arg3[%mul3A_58, %dma_start3A_60] : memref<26000x4096xi32, #tpu.memory_space<hbm>> -> memref<8x4096xi32, #tpu.memory_space<hbm>>
          tpu.enqueue_dma source(%arg5 : memref<8x4096xi32, #tpu.memory_space<vmem>>) target(%dma_start3A_61 : memref<8x4096xi32, #tpu.memory_space<hbm>>) target_semaphore(%run_scoped3A : memref<!tpu.dma_semaphore, #tpu.memory_space<semaphore_mem>>)
          %dma_wait3A = arith.constant 0 : i32
          %dma_wait3A_62 = tpu.memref_slice %arg3[%mul3A_58, %dma_wait3A] : memref<26000x4096xi32, #tpu.memory_space<hbm>> -> memref<8x4096xi32, #tpu.memory_space<hbm>>
          %dma_wait3A_63 = arith.constant 0 : i32
          %dma_wait3A_64 = tpu.memref_slice %arg3[%mul3A_58, %dma_wait3A_63] : memref<26000x4096xi32, #tpu.memory_space<hbm>> -> memref<8x4096xi32, #tpu.memory_space<hbm>>
          tpu.wait_dma2 semaphore(%run_scoped3A : memref<!tpu.dma_semaphore, #tpu.memory_space<semaphore_mem>>) src(%arg5 : memref<8x4096xi32, #tpu.memory_space<vmem>>) dst(%dma_wait3A_64 : memref<8x4096xi32, #tpu.memory_space<hbm>>)
          tpu.yield
        }) : () -> ()
      } else {
      }
      %scan3A_14 = arith.constant 0 : i32
      scf.yield %scan3A_14 : i32
    }
    %scan3A_6 = arith.constant 102 : i32
    return
  }
}

</mosaic_0001>

<sc_bundles>
// kernel: kernel.3.cloned.1.call-start
scs
__scs_entry_jumppad:
0x0: {  	(pc) =	sbr.rel $0x88, $3  }
0x1: {  	(tag) =	ssettag $0x0;
	lr =	simm.s32 $0x1  }
0x2: {  	[smem:$0x3FA0] =	sst lr;
	_ =	strace $0xD0000000  }
0x3: {  	_ = 	snop  }
0x4: {  	_ = 	snop  }
0x5: {  	_ = 	snop  }
0x6: {  	_ = 	snop  }
0x7: {  	_ = 	snop  }
__scs_overlays_trampoline_lowered:
0x8: {  	[smem:$0x3FAF] =	sst s0  }
0x9: {  	[smem:$0x3FB0] =	sst s1  }
0xa: {  	[smem:$0x3FB1] =	sst s2  }
0xb: {  	[smem:$0x3FB2] =	sst s3  }
0xc: {  	[smem:$0x3FB3] =	sst s4  }
0xd: {  	[smem:$0x3FB4] =	sst s5  }
0xe: {  	[smem:$0x3FB5] =	sst s6  }
0xf: {  	[smem:$0x3FB6] =	sst s7  }
0x10: {  	[smem:$0x3FB7] =	sst s8  }
0x11: {  	[smem:$0x3FB8] =	sst s9;
	s0 =	simm.s32 @!p0 $0x0  }
0x12: {  	s1 =	sld [smem:$0x3F9E];
	s0 =	simm.s32 @p0 $0x1  }
0x13: {  	[smem:$0x3FB9] =	sst s0;
	s0 =	simm.s32 @!p1 $0x0  }
0x14: {  	s2 =	sld [smem:$0x3F9D];
	s0 =	simm.s32 @p1 $0x1  }
0x15: {  	[smem:$0x3FBA] =	sst s0;
	s0 =	simm.s32 @!p2 $0x0  }
0x16: {  	s3 =	sld [smem:$0x3FDB];
	s0 =	simm.s32 @p2 $0x1  }
0x17: {  	s4 =	simm.s32 $0x1BF5;
	[smem:$0x3FBC] =	sst s0  }
0x18: {  	s0 =	sld [smem:$0x3F9F];
	_ =	swait.ge [sflag:s4], $0x0  }
0x19: {  	s7 =	sld [smem:$0x3FA0]  }
0x1a: {  	s8 =	sadd.s32 $0xFFFFE003, lr  }
0x1b: {  	s9 =	sadd.s32 $0xFFFFFEF7, lr;
	s5 =	simm.s32 $0xFFFFFFFF;
	p2 =	slt.u32 s8, $0xFFFFF086  }
0x1c: {  	p1 =	slt.u32 s9, $0xF7A;
	s5 =	simm.s32 @!p2 $0x0  }
0x1d: {  	s5 =	simm.s32 @p1 $0x1;
	p0 =	seq.s32 s7, s2  }
0x1e: {  	s7 =	smul.u32 @!p0 $0xF7A, s2;
	p2 =	seq.s32 @!p0 s5, $0x0  }
0x1f: {  	s9 =	smul.u32 $0xF7A, s1;
	s8 =	simm.s32 @!p0 $0x1BF5;
	p2 =	por !p2, p0  }
0x20: {  	[sflag:s8] =	ssyncset.s32 @!p0 $0xFFFFF086;
	s6 =	sadd.s32 @!p0 s3, s7;
	s7 =	simm.s32 @!p0 $0x108  }
0x21: {  	s3 =	sadd.s32 s3, s9;
	s6 =	sadd.s32 @!p0 $0x88, s6;
	s7 =	simm.s32 @p2 $0x1082  }
0x22: {  	[simem:s7], [sflag:s8] =	dma.local @!p0 [hbm:s6], $0xF7A  }
0x23: {  	s9 =	sor.u32 $0xD0000000, s2;
	s6 =	simm.s32 $0x108;
	_ =	swait.ge @!p0 [sflag:s8], $0x0  }
0x24: {  	s3 =	sadd.s32 $0x88, s3;
	s6 =	simm.s32 @!p1 $0x1082;
	[sflag:s4] =	ssyncset.s32 $0xFFFFF086  }
0x25: {  	[simem:s6], [sflag:s4] =	dma.local [hbm:s3], $0xF7A  }
0x26: {  	[smem:$0x3FA0] =	sst s1;
	(tag) =	ssettag s2;
	_ =	strace s9  }
0x27: {  	s1 =	sld [smem:$0x3FB0]  }
0x28: {  	s2 =	sld [smem:$0x3FB1]  }
0x29: {  	s4 =	sld [smem:$0x3FB3]  }
0x2a: {  	p0 =	seq.s32 s5, $0x0;
	s5 =	sld [smem:$0x3FB4]  }
0x2b: {  	s6 =	sld [smem:$0x3FB5]  }
0x2c: {  	s7 =	sld [smem:$0x3FB6]  }
0x2d: {  	s3 =	simm.s32 $0x108;
	s8 =	sld [smem:$0x3FB7]  }
0x2e: {  	s3 =	simm.s32 @!p0 $0x1082;
	s9 =	sld [smem:$0x3FB8]  }
0x2f: {  	lr =	sadd.s32 s0, s3;
	s0 =	sld [smem:$0x3FAF]  }
0x30: {  	s3 =	sld [smem:$0x3FB2]  }
0x31: {  	[smem:$0x3FBB] =	sst s10  }
0x32: {  	s10 =	sld [smem:$0x3FB9];
	_ =	sdelay $0x3  }
0x33: {  	p0 =	seq.s32 s10, $0x1;
	s10 =	sld [smem:$0x3FBB];
	_ =	sdelay $0x3  }
0x34: {  	[smem:$0x3FBB] =	sst s10  }
0x35: {  	s10 =	sld [smem:$0x3FBA];
	_ =	sdelay $0x3  }
0x36: {  	p1 =	seq.s32 s10, $0x1;
	s10 =	sld [smem:$0x3FBB];
	_ =	sdelay $0x3  }
0x37: {  	[smem:$0x3FBB] =	sst s10  }
0x38: {  	s10 =	sld [smem:$0x3FBC]  }
0x39: {  	_ = 	snop;
	(pc) =	sbr.ind lr, $3  }
0x3a: {  	_ = 	snop  }
0x3b: {  	_ = 	snop  }
0x3c: {  	p2 =	seq.s32 s10, $0x1;
	s10 =	sld [smem:$0x3FBB]  }
0x3d: {  	_ =	shalt  }
0x3e: {  	_ =	shalt  }
0x3f: {  	_ =	shalt  }
0x40: {  	_ =	shalt  }
0x41: {  	_ =	shalt  }
0x42: {  	_ =	shalt  }
0x43: {  	_ =	shalt  }
0x44: {  	_ =	shalt  }
0x45: {  	_ =	shalt  }
0x46: {  	_ =	shalt  }
0x47: {  	_ =	shalt  }
0x48: {  	_ =	shalt  }
0x49: {  	_ =	shalt  }
0x4a: {  	_ =	shalt  }
0x4b: {  	_ =	shalt  }
0x4c: {  	_ =	shalt  }
0x4d: {  	_ =	shalt  }
0x4e: {  	_ =	shalt  }
0x4f: {  	_ =	shalt  }
0x50: {  	_ =	shalt  }
0x51: {  	_ =	shalt  }
0x52: {  	_ =	shalt  }
0x53: {  	_ =	shalt  }
0x54: {  	_ =	shalt  }
0x55: {  	_ =	shalt  }
0x56: {  	_ =	shalt  }
0x57: {  	_ =	shalt  }
0x58: {  	_ =	shalt  }
0x59: {  	_ =	shalt  }
0x5a: {  	_ =	shalt  }
0x5b: {  	_ =	shalt  }
0x5c: {  	_ =	shalt  }
0x5d: {  	_ =	shalt  }
0x5e: {  	_ =	shalt  }
0x5f: {  	_ =	shalt  }
0x60: {  	_ =	shalt  }
0x61: {  	_ =	shalt  }
0x62: {  	_ =	shalt  }
0x63: {  	_ =	shalt  }
0x64: {  	_ =	shalt  }
0x65: {  	_ =	shalt  }
0x66: {  	_ =	shalt  }
0x67: {  	_ =	shalt  }
0x68: {  	_ =	shalt  }
0x69: {  	_ =	shalt  }
0x6a: {  	_ =	shalt  }
0x6b: {  	_ =	shalt  }
0x6c: {  	_ =	shalt  }
0x6d: {  	_ =	shalt  }
0x6e: {  	_ =	shalt  }
0x6f: {  	_ =	shalt  }
0x70: {  	_ =	shalt  }
0x71: {  	_ =	shalt  }
0x72: {  	_ =	shalt  }
0x73: {  	_ =	shalt  }
0x74: {  	_ =	shalt  }
0x75: {  	_ =	shalt  }
0x76: {  	_ =	shalt  }
0x77: {  	_ =	shalt  }
0x78: {  	_ =	shalt  }
0x79: {  	_ =	shalt  }
0x7a: {  	_ =	shalt  }
0x7b: {  	_ =	shalt  }
0x7c: {  	_ =	shalt  }
0x7d: {  	_ =	shalt  }
0x7e: {  	_ =	shalt  }
0x7f: {  	_ =	shalt  }
0x80: {  	_ =	shalt  }
0x81: {  	_ =	shalt  }
0x82: {  	_ =	shalt  }
0x83: {  	_ =	shalt  }
0x84: {  	_ =	shalt  }
0x85: {  	_ =	shalt  }
0x86: {  	_ =	shalt  }
0x87: {  	_ =	shalt  }
.Lfunc_end0:
.L_simem_size_0:
called_computation_lowered:
.L_overlay_start_0:
0x88: {  	s2 =	sld [smem:$0x3FD9]  }
0x89: {  	s3 =	sld [smem:$0x3FFE];
	_ =	sdelay $0x1  }
0x8a: {  	s1 =	srdreg.scid  }
0x8b: {  	s0 =	sand.u32 $0x1, s1  }
0x8c: {  	s17 =	sshll.u32 s0, $0xA;
	s2 =	sadd.s32 s3, s2  }
0x8d: {  	s2 =	sadd.s32 s2, s17  }
0x8e: {  	[smem:$0x3FC7] =	sst s2  }
0x8f: {  	_ = 	snop  }
0x90: {  	s2 =	sld [smem:$0x3FD0];
	(tm) =	ssettm $0x1  }
0x91: {  	s18 =	sld [smem:$0x3FFB];
	_ =	sdelay $0x3  }
0x92: {  	_ =	strace s18  }
0x93: {  	s3 =	sld [smem:$0x3FFC];
	_ =	sdelay $0x3  }
0x94: {  	_ =	strace s3  }
0x95: {  	s3 =	sld [smem:$0x3FFD];
	_ =	sdelay $0x3  }
0x96: {  	_ =	strace s3  }
0x97: {  	_ =	strace $0x8FFFFFFF  }
0x98: {  	s19 =	sld [smem:$0x3FDB];
	_ =	sdelay $0x1  }
0x99: {  	s4 =	simm.s32 $_scs_section_size  }
0x9a: {  	s5 =	simm.s32 $_size__tile_overlayer_lowered;
	s6 =	simm.s32 $_tile_overlayer_lowered  }
0x9b: {  	s22 =	simm.s32 $0x1BFF;
	s21 =	sshll.u32 s6, $0x1;
	s3 =	sadd.s32 s4, s19  }
0x9c: {  	s7 =	simm.s32 $0x0;
	s20 =	sshll.u32 s5, $0x1;
	s5 =	sadd.s32 s21, s3  }
0x9d: {  	[timem:s7], [sflag:s22] =	dma.local [hbm:s5], s20  }
0x9e: {  	_ =	swait.ge [sflag:s22], s20  }
0x9f: {  	s4 =	ssub.s32 $0x0, s20;
	[sflag:s22] =	ssyncset.done $0x0  }
0xa0: {  	[sflag:s22] =	ssyncadd.s32 s4;
	_ =	sdelay $0x1  }
0xa1: {  	s23 =	simm.s32 $0x1B8B  }
0xa2: {  	_ =	swait.ge [sflag:s23], $0x1  }
0xa3: {  	[sflag:s23] =	ssyncset.done $0x0  }
0xa4: {  	s25 =	simm.s32 $0x1B8E;
	s24 =	sld [smem:$0x3FFE];
	[sflag:s23] =	ssyncadd.s32 $0xFFFFFFFF  }
0xa5: {  	s26 =	simm.s32 $execute0_lowered;
	[smem:$0x3FD2] =	sst s25  }
0xa6: {  	s5 =	sshll.u32 s26, $0x1;
	_ =	strace $0x80000046;
	[dreg:$0x1] =	wrdreg $0xFFFFFFFF  }
0xa7: {  	s28 =	simm.s32 $_size_execute0_lowered;
	s3 =	sadd.s32 s3, s5;
	[dreg:$0x0] =	wrdreg $0x0  }
0xa8: {  	s5 =	sshll.u32 s28, $0x1;
	[dreg:$0x2] =	wrdreg s3  }
0xa9: {  	[dreg:$0x3] =	wrdreg s5  }
0xaa: {  	[dreg:$0x4] =	wrdreg $0xC0  }
0xab: {  	_ =	task [dreg:s7], $0x5FFFF  }
0xac: {  	[dreg:$0x1] =	wrdreg $0xFFFFFFFF  }
0xad: {  	[dreg:$0x0] =	wrdreg $0x60  }
0xae: {  	[dreg:$0x2] =	wrdreg s24  }
0xaf: {  	[dreg:$0x3] =	wrdreg s2  }
0xb0: {  	[dreg:$0x4] =	wrdreg $0x9  }
0xb1: {  	_ =	task.clear_ibuf [dreg:s7], $0x5FFFF;
	_ =	strace $0x90000046  }
0xb2: {  	s29 =	simm.s32 $0x9;
	_ =	strace $0x80000048  }
0xb3: {  	_ =	swait.ge [sflag:s29], $0x1  }
0xb4: {  	[sflag:s29] =	ssyncadd.s32 $0xFFFFFFFF  }
0xb5: {  	_ =	strace $0x90000048  }
0xb6: {  	_ =	sfence  }
0xb7: {  	s30 =	sld [smem:$0x0];
	_ =	sdelay $0x2  }
0xb8: {  	s31 =	sshll.u32 s1, $0xD;
	s1 =	sshrl.u32 s1, $0x2  }
0xb9: {  	s3 =	sand.u32 $0x4000, s31;
	s1 =	sadd.s32 s1, s30  }
0xba: {  	s0 =	sor.u32 s3, s0;
	s1 =	sshll.u32 s1, $0x11  }
0xbb: {  	s0 =	sor.u32 s1, s0  }
0xbc: {  	s0 =	sadd.s32 $0x8F2B, s0  }
0xbd: {  	[sflag:s0] =	ssyncadd.remote.s32 $0x1  }
0xbe: {  	_ =	sfence.sel $0xFFFF  }
0xbf: {  	[dreg:$0x0] =	wrdreg $0xFFFFFFFF;
	(pc) =	sbr.abs _section_cstart, $3  }
0xc0: {  	[dreg:$0x1] =	wrdreg $0xFFFFFFFF  }
0xc1: {  	_ =	task.clear_ibuf [dreg:s7], $0x2FFFF;
	_ =	strace $0x9FFFFFFF  }
0xc2: {  	(tm) =	ssettm $0x7FFFFFFF  }
0xc3: {  	_ =	shalt  }
tec
execute0_lowered:
.L_overlay_start_1:
0x0: {  	(tag) =	ssettag $0x1  }
0x1: {  	s4 =	rddreg [dreg:$0x0]  }
0x2: {  	s1 =	rddreg [dreg:$0x1]  }
0x3: {  	s3 =	srdreg.scid;
	s0 =	rddreg [dreg:$0x2];
	s2 =	simm.s32 $0x0  }
.Ltmp0:
0x4: {  	s8 =	simm.s32 $0x2;
	s3 =	sand.u32 $0x1, s3;
	(pc) =	sbr.rel .LBB2_1-.Ltmp0, $4  }
0x5: {  	s9 =	simm.s32 $0x1000;
	s10 =	simm.s32 $0x1;
	s6 =	ssub.s32 $0x2, s3  }
0x6: {  	s11 =	simm.s32 $0x0;
	[smem:$0x7FF] =	sst s2;
	s7 =	sshrl.u32 s6, $0x1  }
0x7: {  	s5 =	sadd.s32 $0x400, s4;
	s4 =	stileid.u32;
	s7 =	ssub.s32 s6, s7  }
0x8: {  	v0 =	vimm.s32 $0x0;
	_ =	strace $0x80000047;
	s6 =	sshll.u32 s4, $0x1;
	s7 =	smax.u32 s7, $0x1  }
.LBB2_7:
0x9: {  	s11 =	sadd.s32 $0x1, s11  }
0xa: {  	p0 =	sne.s32 s11, s7  }
.Ltmp1:
0xb: {  	_ = 	snop;
	(pc) =	sbr.rel @!p0 .LBB2_8-.Ltmp1, $1  }
0xc: {  	_ =	sdelay $0x3  }
.LBB2_1:
.Ltmp2:
0xd: {  	(pc) =	sbr.rel .LBB2_2-.Ltmp2, $2  }
0xe: {  	_ =	sdelay $0x2  }
0xf: {  	s12 =	simm.s32 $0x0  }
.LBB2_6:
0x10: {  	s12 =	sadd.s32 $0x1, s12  }
0x11: {  	p0 =	sne.s32 s12, $0x66  }
.Ltmp3:
0x12: {  	_ = 	snop;
	(pc) =	sbr.rel @!p0 .LBB2_7-.Ltmp3, $1  }
0x13: {  	_ =	sdelay $0x3  }
.LBB2_2:
0x14: {  	s13 =	sshll.u32 s12, $0x5  }
0x15: {  	s13 =	sor.u32 s6, s13  }
0x16: {  	p0 =	sgt.u32 s13, $0xCB1  }
.Ltmp4:
0x17: {  	_ = 	snop;
	(pc) =	sbr.rel @p0 .LBB2_6-.Ltmp4, $1  }
0x18: {  	_ =	sdelay $0x3  }
0x19: {  	s13 =	sor.u32 s3, s13  }
0x1a: {  	s14 =	smulhi.u32 $0x10624DD3, s13;
	_ =	sdelay $0x1  }
0x1b: {  	s15 =	sshrl.u32 s14, $0x3  }
0x1c: {  	s14 =	sshll.u32 s15, $0x9  }
0x1d: {  	s16 =	sadd.s32 s5, s14;
	s14 =	simm.s32 $0x0  }
0x1e: {  	[tilespmem:s14], [sflag:$0x2] =	stream.linear.gather [hbm4b:s16+s14], $0x1000, $0x38;
	[tilespmem:$0x9000] =	vst v63  }
0x1f: {  	_ =	swait.ge [sflag:s8], $0x1000  }
0x20: {  	s15 =	smul.u32 $0x7D, s15;
	[sflag:s8] =	ssyncset.done $0x0  }
0x21: {  	[sflag:s8] =	ssyncadd.s32 $0xFFFFF000  }
0x22: {  	s15 =	ssub.s32 s13, s15;
	v5 =	vld [tilespmem:s14+$0x0]  }
0x23: {  	s25 =	sshll.u32 s15, $0x3;
	s15 =	sshllo.u32 s15, $0x3  }
0x24: {  	s17 =	sor.u32 $0x1, s25;
	v2 =	vmov s25;
	s26 =	sor.u32 $0x2, s25;
	s18 =	sor.u32 $0x3, s25;
	v4 =	vmov s15  }
0x25: {  	s19 =	sor.u32 $0x4, s25;
	s28 =	sor.u32 $0x5, s25;
	s16 =	sor.u32 $0x6, s25;
	v3 =	vmov s17;
	v1 =	vmov s26;
	v6 =	vmov s18  }
0x26: {  	v7 =	vmov s19;
	v8 =	vmov s28;
	v9 =	vmov s16  }
0x27: {  	s29 =	sand.u32 $0x7, s14;
	s30 =	sand.u32 $0x70, s14;
	s31 =	sand.u32 $0x7C00, s14;
	vm0 =	veq.s32 v5, v2;
	vm1 =	veq.s32 v5, v3;
	vm2 =	veq.s32 v5, v9  }
0x28: {  	s15 =	sshll.u32 s29, $0x4;
	s16 =	simm.s32 $0x10;
	s17 =	sor.u32 s30, s31;
	v10 =	vsel vm0, $0x1, v0;
	v12 =	vsel vm1, $0x1, v0;
	vm0 =	veq.s32 v5, v6  }
0x29: {  	s15 =	sadd.s32 $0x0, s15;
	s18 =	simm.s32 $0x0;
	s19 =	simm.s32 $0x0;
	[tilespmem:s17+$0x1000] =	vst v10;
	v11 =	vsel vm0, $0x1, v0;
	vm0 =	veq.s32 v5, v7;
	v10 =	vsel vm2, $0x1, v0  }
.LBB2_4:
0x2a: {  	s14 =	sadd.s32 $0x80, s14  }
0x2b: {  	[tilespmem:s17+$0x1080] =	vst v12;
	vm1 =	veq.s32 v5, v1;
	v12 =	vsel vm0, $0x1, v0;
	vm0 =	veq.s32 v5, v8;
	s18 =	sadd.s32 $0x1, s18;
	s19 =	sadd.s32 $0x10, s19;
	s20 =	smov.u32 s16  }
0x2c: {  	p0 =	sne.s32 s16, $0xFF0;
	s16 =	sadd.s32 $0x10, s16;
	s21 =	sand.u32 $0x7, s18;
	v13 =	vsel vm1, $0x1, v0;
	[tilespmem:s17+$0x1180] =	vst v11;
	v11 =	vsel vm0, $0x1, v0;
	vm0 =	veq.s32 v5, v4  }
0x2d: {  	s21 =	sshll.u32 s21, $0x4;
	[tilespmem:s17+$0x1200] =	vst v12  }
0x2e: {  	s21 =	sadd.s32 s21, s14;
	[tilespmem:s17+$0x1280] =	vst v11  }
0x2f: {  	s22 =	sor.u32 $0x380, s15;
	v5 =	vsel vm0, $0x1, v0;
	[tilespmem:s17+$0x1300] =	vst v10;
	s15 =	smov.u32 s21  }
0x30: {  	[tilespmem:s17+$0x1100] =	vst v13  }
0x31: {  	[tilespmem:s22+$0x1000] =	vst v5  }
0x32: {  	v5 =	vld [tilespmem:s19+$0x0];
	_ =	sdelay $0x2  }
.Ltmp5:
0x33: {  	(pc) =	sbr.rel @p0 .LBB2_4-.Ltmp5, $4  }
0x34: {  	_ = 	snop  }
0x35: {  	s17 =	sand.u32 $0x70, s20;
	s20 =	sand.u32 $0x7C00, s14;
	vm0 =	veq.s32 v5, v2;
	vm1 =	veq.s32 v5, v3;
	vm2 =	veq.s32 v5, v9  }
0x36: {  	s17 =	sor.u32 s17, s20;
	v10 =	vsel vm0, $0x1, v0;
	v12 =	vsel vm1, $0x1, v0;
	vm0 =	veq.s32 v5, v6  }
0x37: {  	[tilespmem:s17+$0x1000] =	vst v10;
	v11 =	vsel vm0, $0x1, v0;
	vm0 =	veq.s32 v5, v7;
	v10 =	vsel vm2, $0x1, v0  }
0x38: {  	[tilespmem:s17+$0x1080] =	vst v12  }
0x39: {  	[tilespmem:s17+$0x1180] =	vst v11  }
0x3a: {  	v2 =	vsel vm0, $0x1, v0;
	vm13 =	veq.s32 v5, v8;
	[tilespmem:s17+$0x1300] =	vst v10  }
0x3b: {  	vm14 =	veq.s32 v5, v1;
	v3 =	vsel vm13, $0x1, v0;
	[tilespmem:s17+$0x1200] =	vst v2  }
0x3c: {  	vm15 =	veq.s32 v5, v4;
	v1 =	vsel vm14, $0x1, v0;
	[tilespmem:s17+$0x1280] =	vst v3  }
0x3d: {  	s14 =	sor.u32 $0x380, s15;
	s13 =	sshll.u32 s13, $0xC;
	v2 =	vsel vm15, $0x1, v0;
	[tilespmem:s17+$0x1100] =	vst v1  }
.Ltmp6:
0x3e: {  	s13 =	sadd.s32 s1, s13;
	[tilespmem:s14+$0x1000] =	vst v2;
	(pc) =	sbr.rel .LBB2_6-.Ltmp6, $4  }
0x3f: {  	[hbm4b:s13+s2] =	stream.linear.scatter [tilespmem:s9], [sflag:$0x1], $0x8000, $0x38;
	[tilespmem:$0x9000] =	vst v63  }
0x40: {  	_ =	swait.ge [sflag:s10], $0x8000  }
0x41: {  	[sflag:s10] =	ssyncset.done $0x0  }
0x42: {  	[sflag:s10] =	ssyncadd.s32 $0xFFFF8000  }
.LBB2_8:
0x43: {  	_ =	sfence.sel $0x180000  }
0x44: {  	[bflag:$0x0] =	sbarrier.arrive $0xFFFF  }
0x45: {  	p0 =	sne.s32 s4, $0x0;
	_ =	strace $0x90000047  }
0x46: {  	s0 =	sadd.s32 @!p0 $0x100000, s0;
	[bflag:$0x2] =	sbarrier.arrive $0xFFFF  }
0x47: {  	[sflag:s0] =	ssyncadd.tile.s32 @!p0 $0x1;
	_ =	shalt  }
.Lfunc_end2:
_tile_overlayer_lowered:
.L_overlay_start_2:
0x48: {  	(tag) =	ssettag $0x2  }
0x49: {  	s0 =	rddreg [dreg:$0x0];
	s2 =	stileid.u32  }
0x4a: {  	s1 =	rddreg [dreg:$0x1];
	p0 =	sne.s32 s2, $0x0  }
0x4b: {  	s3 =	rddreg [dreg:$0x2];
	[bflag:$0x3] =	sbarrier.arrive $0xFFFF;
	s2 =	simm.s32 @!p0 $0x1C01  }
0x4c: {  	[timem:s3], [sflag:s2] =	dma.local @!p0 [hbm:s0], s1  }
0x4d: {  	s0 =	simm.s32 @!p0 $0x1  }
0x4e: {  	_ =	swait.ge @!p0 [sflag:s0], s1  }
0x4f: {  	s1 =	ssub.s32 @!p0 $0x0, s1;
	[sflag:s0] =	ssyncset.done @!p0 $0x0  }
0x50: {  	[sflag:s0] =	ssyncadd.s32 @!p0 s1  }
0x51: {  	[bflag:$0x3] =	sbarrier.arrive $0xFFFF  }
0x52: {  	_ =	shalt  }

</sc_bundles>
